<compile_context>
chip_gen: v7x
topology: tpu7x:2x2x1
jax: 0.10.2.dev20260603
libtpu: 0.0.44.dev20260713+nightly
codegen_flags: <defaults>
</compile_context>

<pallas_src>
import jax
import jax.numpy as jnp
from jax.experimental import pallas as pl
from jax.experimental.pallas import tpu as pltpu

_BM = 512
_D = 256


def _body(idx_ref, x_ref, pos_ref, out_ref, pos_full):
    del idx_ref

    @pl.when(pl.program_id(0) == 0)
    def _():
        pos_full[...] = jnp.broadcast_to(pos_ref[0], (_BM, _D))

    out_ref[:, 0:_D] = x_ref[...]
    out_ref[:, _D:2 * _D] = pos_full[...]


def kernel(x, pos_table, index):
    B, _, D = x.shape
    x2 = x.reshape(B, D)
    pos3 = pos_table.reshape(pos_table.shape[1], 1, D)
    grid = B // _BM
    idx = jnp.asarray(index, jnp.int32).reshape(1)
    out = pl.pallas_call(
        _body,
        grid_spec=pltpu.PrefetchScalarGridSpec(
            num_scalar_prefetch=1,
            grid=(grid,),
            in_specs=[
                pl.BlockSpec((_BM, D), lambda i, s: (i, 0)),
                pl.BlockSpec((1, 1, D), lambda i, s: (s[0], 0, 0)),
            ],
            out_specs=pl.BlockSpec((_BM, 2 * D), lambda i, s: (i, 0)),
            scratch_shapes=[
                pltpu.VMEM((_BM, D), jnp.float32),
            ],
        ),
        out_shape=jax.ShapeDtypeStruct((B, 2 * D), jnp.float32),
        compiler_params=pltpu.CompilerParams(
            dimension_semantics=("arbitrary",),
        ),
    )(idx, x2, pos3)
    return out.reshape(B, 1, 2 * D)

# --- scband reference (transcript-rebuilt; emitter-appended) ---
"""Pipeline reference for scband-index-positional-encoding-15238543966937 (READ-ONLY COPY).

The authoritative reference and input builder live on the scoring server;
editing this copy changes nothing except your own understanding.
"""

import jax, jax.numpy as jnp
import numpy as np

D_HID = 256
N_POSITION = 8192
BATCH = 16384


def _get_sinusoid_encoding_table(n_position, d_hid):
    def get_position_angle_vec(position):
        return [position / np.power(10000, 2 * (hid_j // 2) / d_hid) for hid_j in range(d_hid)]
    sinusoid_table = np.array([get_position_angle_vec(pos_i) for pos_i in range(n_position)])
    sinusoid_table[:, 0::2] = np.sin(sinusoid_table[:, 0::2])
    sinusoid_table[:, 1::2] = np.cos(sinusoid_table[:, 1::2])
    return jnp.asarray(sinusoid_table, dtype=jnp.float32)[None, :, :]  # [1, n_position, d_hid]


def setup_inputs(seed: int = 0) -> dict:
    key = jax.random.key(seed)
    kx, = jax.random.split(key, 1)
    x = jax.random.normal(kx, (BATCH, 1, D_HID), dtype=jnp.float32)
    pos_table = _get_sinusoid_encoding_table(N_POSITION, D_HID)
    index = 1234
    return {"x": x, "pos_table": pos_table, "index": index}


def reference(x, pos_table, index):
    # torch: cat((x, pos_table[:, index:index+1, :x.size(2)].detach().repeat(B,1,1)), 2)
    d = x.shape[2]
    pos_slice = jax.lax.dynamic_slice(pos_table, (0, index, 0), (1, 1, d))  # [1,1,d]
    pos_rep = jnp.tile(pos_slice, (x.shape[0], 1, 1))  # [B,1,d]
    return jnp.concatenate((x, pos_rep), axis=2)

if __name__ == "__main__":
    import jax
    _d = setup_inputs()
    print(jax.jit(kernel)(*tuple(_d.values())))

</pallas_src>

<mosaic_0001>
module attributes {stable_mosaic.version = 14 : i64} {
  func.func @_body(%arg0: i32, %arg1: memref<1xi32, #tpu.memory_space<smem>>, %arg2: memref<512x256xf32, #tpu.memory_space<vmem>>, %arg3: memref<1x1x256xf32, #tpu.memory_space<vmem>>, %arg4: memref<512x512xf32, #tpu.memory_space<vmem>>, %arg5: memref<512x256xf32, #tpu.memory_space<vmem>>) attributes {dimension_semantics = [#tpu.dimension_semantics<arbitrary>], iteration_bounds = array<i64: 32>, scalar_prefetch = 1 : i64, scratch_operands = 1 : i64, tpu.core_type = #tpu.core_type<tc>, window_params = [{transform_indices = @transform_0, window_bounds = array<i64: 512, 256>}, {transform_indices = @transform_1, window_bounds = array<i64: 1, 1, 256>}, {transform_indices = @transform_2, window_bounds = array<i64: 512, 512>}]} {
    %eq3A = arith.constant 0 : i32
    %eq3A_0 = arith.cmpi eq, %arg0, %eq3A : i32
    %convert_element_type3A = arith.extui %eq3A_0 : i1 to i32
    %cond3A = arith.constant 0 : i32
    %cond3A_1 = arith.cmpi ne, %convert_element_type3A, %cond3A : i32
    scf.if %cond3A_1 {
      %get3A_12 = arith.constant 0 : index
      %get3A_13 = arith.constant 0 : index
      %get3A_14 = arith.constant 0 : index
      %get3A_15 = vector.load %arg3[%get3A_12, %get3A_13, %get3A_14] : memref<1x1x256xf32, #tpu.memory_space<vmem>>, vector<1x1x256xf32>
      %get3A_16 = vector.shape_cast %get3A_15 : vector<1x1x256xf32> to vector<1x256xf32>
      %broadcast_in_dim3A = vector.shape_cast %get3A_16 : vector<1x256xf32> to vector<1x256xf32>
      %broadcast_in_dim3A_17 = vector.broadcast %broadcast_in_dim3A : vector<1x256xf32> to vector<512x256xf32>
      %swap3A_18 = arith.constant 0 : index
      %swap3A_19 = arith.constant 0 : index
      %swap3A_20 = vector.load %arg5[%swap3A_18, %swap3A_19] : memref<512x256xf32, #tpu.memory_space<vmem>>, vector<512x256xf32>
      tpu.vector_store %arg5[%swap3A_18, %swap3A_19], %broadcast_in_dim3A_17 {strides = array<i32>} : memref<512x256xf32, #tpu.memory_space<vmem>>, vector<512x256xf32>,
    } else {
    }
    %get3A = arith.constant 0 : index
    %get3A_2 = arith.constant 0 : index
    %get3A_3 = vector.load %arg2[%get3A, %get3A_2] : memref<512x256xf32, #tpu.memory_space<vmem>>, vector<512x256xf32>
    %swap3A = arith.constant 0 : index
    %swap3A_4 = arith.constant 0 : index
    %swap3A_5 = vector.load %arg4[%swap3A, %swap3A_4] : memref<512x512xf32, #tpu.memory_space<vmem>>, vector<512x256xf32>
    tpu.vector_store %arg4[%swap3A, %swap3A_4], %get3A_3 {strides = array<i32>} : memref<512x512xf32, #tpu.memory_space<vmem>>, vector<512x256xf32>,
    %get3A_6 = arith.constant 0 : index
    %get3A_7 = arith.constant 0 : index
    %get3A_8 = vector.load %arg5[%get3A_6, %get3A_7] : memref<512x256xf32, #tpu.memory_space<vmem>>, vector<512x256xf32>
    %swap3A_9 = arith.constant 0 : index
    %swap3A_10 = arith.constant 256 : index
    %swap3A_11 = vector.load %arg4[%swap3A_9, %swap3A_10] : memref<512x512xf32, #tpu.memory_space<vmem>>, vector<512x256xf32>
    tpu.vector_store %arg4[%swap3A_9, %swap3A_10], %get3A_8 {strides = array<i32>} : memref<512x512xf32, #tpu.memory_space<vmem>>, vector<512x256xf32>,
    return
  }
  func.func @transform_0(%arg0: i32, %arg1: memref<1xi32, #tpu.memory_space<smem>>) -> (i32, i32) {
    %c0_i32 = arith.constant 0 : i32
    %c0_i32_0 = arith.constant 0 : i32
    return %arg0, %c0_i32 : i32, i32
  }
  func.func @transform_1(%arg0: i32, %arg1: memref<1xi32, #tpu.memory_space<smem>>) -> (i32, i32, i32) {
    %get3A = arith.constant 0 : index
    %get3A_0 = memref.load %arg1[%get3A] : memref<1xi32, #tpu.memory_space<smem>>
    %c0_i32 = arith.constant 0 : i32
    %c0_i32_1 = arith.constant 0 : i32
    %c0_i32_2 = arith.constant 0 : i32
    return %get3A_0, %c0_i32, %c0_i32_1 : i32, i32, i32
  }
  func.func @transform_2(%arg0: i32, %arg1: memref<1xi32, #tpu.memory_space<smem>>) -> (i32, i32) {
    %c0_i32 = arith.constant 0 : i32
    %c0_i32_0 = arith.constant 0 : i32
    return %arg0, %c0_i32 : i32, i32
  }
}

</mosaic_0001>

<sc_bundles>
// kernel: sparse-core-data-format-call.cloned.1.call-start
scs
called_computation_lowered:
.L_overlay_start_0:
0x0: {  	s2 =	sld [smem:$0x3FD9]  }
0x1: {  	s3 =	sld [smem:$0x3FFE];
	_ =	sdelay $0x1  }
0x2: {  	s1 =	srdreg.scid  }
0x3: {  	s0 =	sand.u32 $0x1, s1  }
0x4: {  	s18 =	sshll.u32 s0, $0xA;
	s2 =	sadd.s32 s3, s2  }
0x5: {  	s2 =	sadd.s32 s2, s18  }
0x6: {  	[smem:$0x3FC5] =	sst s2  }
0x7: {  	_ = 	snop  }
0x8: {  	s2 =	sld [smem:$0x3FD0];
	(tm) =	ssettm $0x1  }
0x9: {  	s19 =	sld [smem:$0x3FFB];
	_ =	sdelay $0x3  }
0xa: {  	_ =	strace s19  }
0xb: {  	s3 =	sld [smem:$0x3FFC];
	_ =	sdelay $0x3  }
0xc: {  	_ =	strace s3  }
0xd: {  	s3 =	sld [smem:$0x3FFD];
	_ =	sdelay $0x3  }
0xe: {  	_ =	strace s3  }
0xf: {  	_ =	strace $0x8FFFFFFF  }
0x10: {  	s20 =	sld [smem:$0x3FDB];
	_ =	sdelay $0x1  }
0x11: {  	s4 =	simm.s32 $_scs_section_size  }
0x12: {  	s5 =	simm.s32 $_size__tile_overlayer_lowered;
	s6 =	simm.s32 $_tile_overlayer_lowered  }
0x13: {  	s23 =	simm.s32 $0x1BFF;
	s22 =	sshll.u32 s6, $0x1;
	s3 =	sadd.s32 s4, s20  }
0x14: {  	s7 =	simm.s32 $0x0;
	s21 =	sshll.u32 s5, $0x1;
	s5 =	sadd.s32 s22, s3  }
0x15: {  	[timem:s7], [sflag:s23] =	dma.local [hbm:s5], s21  }
0x16: {  	_ =	swait.ge [sflag:s23], s21  }
0x17: {  	s4 =	ssub.s32 $0x0, s21;
	[sflag:s23] =	ssyncset.done $0x0  }
0x18: {  	[sflag:s23] =	ssyncadd.s32 s4;
	_ =	sdelay $0x1  }
0x19: {  	s24 =	simm.s32 $0x1B8B  }
0x1a: {  	_ =	swait.ge [sflag:s24], $0x1  }
0x1b: {  	[sflag:s24] =	ssyncset.done $0x0  }
0x1c: {  	s26 =	simm.s32 $0x1B8E;
	s25 =	sld [smem:$0x3FFE];
	[sflag:s24] =	ssyncadd.s32 $0xFFFFFFFF  }
0x1d: {  	s27 =	simm.s32 $execute0_lowered;
	[smem:$0x3FD2] =	sst s26  }
0x1e: {  	s5 =	sshll.u32 s27, $0x1;
	_ =	strace $0x80000046;
	[dreg:$0x1] =	wrdreg $0xFFFFFFFF  }
0x1f: {  	s28 =	simm.s32 $_size_execute0_lowered;
	s3 =	sadd.s32 s3, s5;
	[dreg:$0x0] =	wrdreg $0x0  }
0x20: {  	s5 =	sshll.u32 s28, $0x1;
	[dreg:$0x2] =	wrdreg s3  }
0x21: {  	[dreg:$0x3] =	wrdreg s5  }
0x22: {  	[dreg:$0x4] =	wrdreg $0xC0  }
0x23: {  	_ =	task [dreg:s7], $0x5FFFF  }
0x24: {  	[dreg:$0x1] =	wrdreg $0xFFFFFFFF  }
0x25: {  	[dreg:$0x0] =	wrdreg $0x60  }
0x26: {  	[dreg:$0x2] =	wrdreg s25  }
0x27: {  	[dreg:$0x3] =	wrdreg s2  }
0x28: {  	[dreg:$0x4] =	wrdreg $0x9  }
0x29: {  	_ =	task.clear_ibuf [dreg:s7], $0x5FFFF;
	_ =	strace $0x90000046  }
0x2a: {  	s29 =	simm.s32 $0x9;
	_ =	strace $0x80000048  }
0x2b: {  	_ =	swait.ge [sflag:s29], $0x1  }
0x2c: {  	[sflag:s29] =	ssyncadd.s32 $0xFFFFFFFF  }
0x2d: {  	_ =	strace $0x90000048  }
0x2e: {  	_ =	sfence  }
0x2f: {  	s30 =	sld [smem:$0x0];
	_ =	sdelay $0x2  }
0x30: {  	s31 =	sshll.u32 s1, $0xD;
	s1 =	sshrl.u32 s1, $0x2  }
0x31: {  	s3 =	sand.u32 $0x4000, s31;
	s1 =	sadd.s32 s1, s30  }
0x32: {  	s0 =	sor.u32 s3, s0;
	s1 =	sshll.u32 s1, $0x11  }
0x33: {  	s0 =	sor.u32 s1, s0  }
0x34: {  	s0 =	sadd.s32 $0x8F2B, s0  }
0x35: {  	[sflag:s0] =	ssyncadd.remote.s32 $0x1  }
0x36: {  	_ =	sfence.sel $0xFFFF  }
0x37: {  	[dreg:$0x0] =	wrdreg $0xFFFFFFFF;
	(pc) =	sbr.abs _section_cstart, $3  }
0x38: {  	[dreg:$0x1] =	wrdreg $0xFFFFFFFF  }
0x39: {  	_ =	task.clear_ibuf [dreg:s7], $0x2FFFF;
	_ =	strace $0x9FFFFFFF  }
0x3a: {  	(tm) =	ssettm $0x7FFFFFFF  }
0x3b: {  	_ =	shalt  }
tec
execute0_lowered:
.L_overlay_start_1:
0x0: {  	(tag) =	ssettag $0x1  }
0x1: {  	s0 =	srdreg.scid  }
0x2: {  	s1 =	sshll.u32 s0, $0x4  }
0x3: {  	s4 =	rddreg [dreg:$0x0];
	s0 =	stileid.u32;
	s1 =	sand.u32 $0x10, s1  }
0x4: {  	s2 =	rddreg [dreg:$0x1];
	s7 =	simm.s32 $0x1;
	s1 =	sor.u32 s0, s1  }
0x5: {  	s8 =	simm.s32 $0x2;
	s9 =	simm.s32 $0x0;
	s3 =	sshll.u32 s1, $0x5  }
0x6: {  	s12 =	simm.s32 $0x0;
	s11 =	simm.s32 $0x0;
	s6 =	ssub.s32 $0x4000, s3  }
.Ltmp0:
0x7: {  	s4 =	sadd.s32 $0x800, s4;
	s5 =	sand.u32 $0x3E0, s6;
	(pc) =	sbr.rel .LBB1_1-.Ltmp0, $4  }
0x8: {  	s1 =	rddreg [dreg:$0x2];
	_ =	strace $0x80000047;
	p0 =	sne.s32 s5, $0x0  }
0x9: {  	s6 =	sshrl.u32 s6, $0xA;
	s5 =	simm.s32 $0x1;
	s7 =	simm.s32 @!p0 $0x0  }
0xa: {  	s10 =	smov.u32 s3;
	[sflag:s5] =	ssyncpa.u1 $0x0;
	s6 =	sadd.s32 s7, s6  }
0xb: {  	[sflag:s8] =	ssyncpa.u1 $0x0;
	s8 =	simm.s32 $0x0;
	s7 =	sadd.s32 $0x1, s6  }
.LBB1_4:
0xc: {  	_ = 	snop  }
0xd: {  	[tilespmem:s15+$0x60] =	vst v7  }
0xe: {  	[tilespmem:s15+$0x70] =	vst v6  }
0xf: {  	[tilespmem:s15+$0x90] =	vst v4  }
0x10: {  	s18 =	sor.u32 s20, s19;
	v31 =	vld.idx.msk [tilespmem:v0+s16+$0xC70 ss:$0x1], $0xffff;
	[tilespmem:s15+$0xA0] =	vst v1  }
0x11: {  	[tilespmem:s15+$0xB0] =	vst v2;
	v43 =	vld.idx.msk [tilespmem:v0+s18+$0x410 ss:$0x1], $0xffff  }
0x12: {  	[tilespmem:s15+$0xC0] =	vst v3;
	v44 =	vld.idx.msk [tilespmem:v0+s18+$0x420 ss:$0x1], $0xffff  }
0x13: {  	[tilespmem:s15+$0xD0] =	vst v5;
	v45 =	vld.idx.msk [tilespmem:v0+s18+$0x430 ss:$0x1], $0xffff  }
0x14: {  	[tilespmem:s15+$0xE0] =	vst v8;
	v46 =	vld.idx.msk [tilespmem:v0+s18+$0x440 ss:$0x1], $0xffff  }
0x15: {  	s31 =	sadd.s32 $0x200, s15;
	v47 =	vld.idx.msk [tilespmem:v0+s18+$0x450 ss:$0x1], $0xffff;
	[tilespmem:s15+$0xF0] =	vst v31  }
0x16: {  	v48 =	vld.idx.msk [tilespmem:v0+s18+$0x460 ss:$0x1], $0xffff;
	[tilespmem:s31+$0xFFFFFF90] =	vst v43  }
0x17: {  	v49 =	vld.idx.msk [tilespmem:v0+s18+$0x470 ss:$0x1], $0xffff;
	[tilespmem:s31+$0xFFFFFFA0] =	vst v44  }
0x18: {  	v50 =	vld.idx.msk [tilespmem:v0+s18+$0x810 ss:$0x1], $0xffff;
	[tilespmem:s31+$0xFFFFFFB0] =	vst v45  }
0x19: {  	v51 =	vld.idx.msk [tilespmem:v0+s18+$0x820 ss:$0x1], $0xffff;
	[tilespmem:s31+$0xFFFFFFC0] =	vst v46  }
0x1a: {  	v52 =	vld.idx.msk [tilespmem:v0+s18+$0x830 ss:$0x1], $0xffff;
	[tilespmem:s31+$0xFFFFFFD0] =	vst v47  }
0x1b: {  	v53 =	vld.idx.msk [tilespmem:v0+s18+$0x840 ss:$0x1], $0xffff;
	[tilespmem:s31+$0xFFFFFFE0] =	vst v48  }
0x1c: {  	v54 =	vld.idx.msk [tilespmem:v0+s18+$0x850 ss:$0x1], $0xffff;
	[tilespmem:s31+$0xFFFFFFF0] =	vst v49  }
0x1d: {  	v55 =	vld.idx.msk [tilespmem:v0+s18+$0x860 ss:$0x1], $0xffff;
	[tilespmem:s31+$0x10] =	vst v50  }
0x1e: {  	v56 =	vld.idx.msk [tilespmem:v0+s18+$0x870 ss:$0x1], $0xffff;
	[tilespmem:s31+$0x20] =	vst v51  }
0x1f: {  	v57 =	vld.idx.msk [tilespmem:v0+s18+$0xC10 ss:$0x1], $0xffff;
	[tilespmem:s31+$0x30] =	vst v52  }
0x20: {  	v58 =	vld.idx.msk [tilespmem:v0+s18+$0xC20 ss:$0x1], $0xffff;
	[tilespmem:s31+$0x40] =	vst v53  }
0x21: {  	v59 =	vld.idx.msk [tilespmem:v0+s18+$0xC30 ss:$0x1], $0xffff;
	[tilespmem:s31+$0x50] =	vst v54  }
0x22: {  	v60 =	vld.idx.msk [tilespmem:v0+s18+$0xC40 ss:$0x1], $0xffff;
	[tilespmem:s31+$0x60] =	vst v55  }
0x23: {  	s19 =	sand.u32 $0x3200, s18;
	v61 =	vld.idx.msk [tilespmem:v0+s18+$0xC50 ss:$0x1], $0xffff;
	[tilespmem:s31+$0x70] =	vst v56  }
0x24: {  	s17 =	sand.u32 $0x180, s17;
	v62 =	vld.idx.msk [tilespmem:v0+s18+$0xC60 ss:$0x1], $0xffff;
	s14 =	sadd.s32 s19, s14;
	[tilespmem:s31+$0x90] =	vst v57  }
0x25: {  	v63 =	vld.idx.msk [tilespmem:v0+s18+$0xC70 ss:$0x1], $0xffff;
	s14 =	sadd.s32 s17, s14;
	[tilespmem:s31+$0xA0] =	vst v58  }
0x26: {  	v32 =	vld [tilespmem:s14+$0xC00];
	[tilespmem:s31+$0xB0] =	vst v59  }
0x27: {  	v33 =	vld [tilespmem:s14+$0x0];
	[tilespmem:s31+$0xC0] =	vst v60  }
0x28: {  	v34 =	vld [tilespmem:s14+$0x10];
	[tilespmem:s31+$0xD0] =	vst v61  }
0x29: {  	v35 =	vld [tilespmem:s14+$0x20];
	[tilespmem:s31+$0xE0] =	vst v62  }
0x2a: {  	v36 =	vld [tilespmem:s14+$0x30];
	[tilespmem:s31+$0xF0] =	vst v63  }
0x2b: {  	v37 =	vld [tilespmem:s14+$0x40];
	[tilespmem:s31+$0x80] =	vst v32  }
0x2c: {  	v38 =	vld [tilespmem:s14+$0x50];
	[tilespmem:s31+$0xFFFFFF00] =	vst v33  }
0x2d: {  	v39 =	vld [tilespmem:s14+$0x60];
	[tilespmem:s31+$0xFFFFFF10] =	vst v34  }
0x2e: {  	v40 =	vld [tilespmem:s14+$0x70];
	[tilespmem:s31+$0xFFFFFF20] =	vst v35  }
0x2f: {  	v41 =	vld [tilespmem:s14+$0x400];
	[tilespmem:s31+$0xFFFFFF30] =	vst v36  }
0x30: {  	v42 =	vld [tilespmem:s14+$0x800];
	[tilespmem:s31+$0xFFFFFF40] =	vst v37  }
0x31: {  	[tilespmem:s31+$0xFFFFFF50] =	vst v38  }
0x32: {  	[tilespmem:s31+$0xFFFFFF60] =	vst v39  }
0x33: {  	[tilespmem:s31+$0xFFFFFF70] =	vst v40  }
0x34: {  	s12 =	sshll.u32 s12, $0x6;
	[tilespmem:s31+$0xFFFFFF80] =	vst v41  }
0x35: {  	s12 =	sadd.s32 s2, s12;
	[tilespmem:s31+$0x0] =	vst v42  }
0x36: {  	[hbm4b:s12+s8] =	stream.linear.scatter [tilespmem:s13], [sflag:$0x2], $0x4000, $0x38;
	[tilespmem:$0x10000] =	vst v63  }
.LBB1_5:
0x37: {  	s14 =	sadd.s32 $0x400, s10  }
0x38: {  	p1 =	sgt.s32 s14, $0x3FFF  }
0x39: {  	s14 =	smov.u32 @p1 s3;
	p1 =	sne.s32 s11, s7  }
.Ltmp1:
0x3a: {  	p0 =	slt.u32 s11, $0x2;
	(pc) =	sbr.rel @!p1 .LBB1_6-.Ltmp1, $4  }
0x3b: {  	s13 =	simm.s32 @!p0 $0x2  }
0x3c: {  	s15 =	sadd.s32 $0x1, s11;
	_ =	swait.ge @!p0 [sflag:s13], $0x4000  }
0x3d: {  	s12 =	smov.u32 s10;
	s9 =	sadd.s32 $0x4000, s9;
	[sflag:s13] =	ssyncset.done @!p0 $0x0  }
0x3e: {  	s11 =	smov.u32 s15;
	s10 =	smov.u32 s14;
	[sflag:s13] =	ssyncadd.s32 @!p0 $0xFFFFC000  }
.LBB1_1:
0x3f: {  	p0 =	sge.u32 s11, s6  }
0x40: {  	s13 =	sshll.u32 @!p0 s10, $0x9;
	s14 =	sshll.u32 @!p0 s10, $0x7  }
0x41: {  	s13 =	sand.u32 @!p0 $0x7FF000, s13;
	s14 =	sand.u32 @!p0 $0x380, s14  }
0x42: {  	s15 =	sxor.u32 @!p0 $0xFFFFFFFF, s11;
	s13 =	sor.u32 @!p0 s14, s13  }
0x43: {  	s31 =	sadd.s32 $0xFFFFFFFF, s11;
	s14 =	sshll.u32 @!p0 s15, $0xE;
	s13 =	sshrl.u32 @!p0 s13, $0x3  }
0x44: {  	s15 =	simm.s32 @!p0 $0x0;
	s14 =	sand.u32 @!p0 $0x4000, s14;
	s13 =	sadd.s32 @!p0 s4, s13  }
0x45: {  	[tilespmem:s14], [sflag:$0x1] =	stream.linear.gather @!p0 [hbm4b:s13+s15], $0x4000, $0x38;
	[tilespmem:$0x10000] =	vst v63  }
0x46: {  	p0 =	sge.u32 s31, s6  }
.Ltmp2:
0x47: {  	_ = 	snop;
	(pc) =	sbr.rel @p0 .LBB1_5-.Ltmp2, $1  }
0x48: {  	_ =	sdelay $0x3  }
0x49: {  	s30 =	simm.s32 $0x0  }
0x4a: {  	s15 =	sand.u32 $0x3000, s30;
	s16 =	sand.u32 $0x380, s30  }
0x4b: {  	s13 =	sshll.u32 s11, $0xE;
	s16 =	sor.u32 s16, s15  }
0x4c: {  	_ =	swait.ge [sflag:s5], $0x4000;
	s14 =	sand.u32 $0x4000, s13;
	s15 =	sand.u32 $0x3200, s16  }
0x4d: {  	[sflag:s5] =	ssyncset.done $0x0;
	s13 =	sand.u32 $0x180, s30;
	s15 =	sadd.s32 s15, s14  }
0x4e: {  	[sflag:s5] =	ssyncadd.s32 $0xFFFFC000;
	s13 =	sadd.s32 s13, s15  }
0x4f: {  	v4 =	vld [tilespmem:s13+$0xC00]  }
0x50: {  	v0 =	vmov s14;
	v5 =	vld [tilespmem:s13+$0x0]  }
0x51: {  	v6 =	vld [tilespmem:s13+$0x10]  }
0x52: {  	v7 =	vld [tilespmem:s13+$0x20]  }
0x53: {  	v8 =	vld [tilespmem:s13+$0x30]  }
0x54: {  	v9 =	vld [tilespmem:s13+$0x40]  }
0x55: {  	s31 =	sand.u32 $0x4000, s9;
	v1 =	vld.idx.msk [tilespmem:v0+s16+$0x410 ss:$0x1], $0xffff  }
0x56: {  	s15 =	sor.u32 $0x8100, s31;
	v2 =	vld.idx.msk [tilespmem:v0+s16+$0x420 ss:$0x1], $0xffff  }
0x57: {  	v3 =	vld.idx.msk [tilespmem:v0+s16+$0x430 ss:$0x1], $0xffff;
	[tilespmem:s15+$0x80] =	vst v4  }
0x58: {  	v10 =	vld.idx.msk [tilespmem:v0+s16+$0x820 ss:$0x1], $0xffff;
	[tilespmem:s15+$0xFFFFFF00] =	vst v5  }
0x59: {  	v11 =	vld.idx.msk [tilespmem:v0+s16+$0x830 ss:$0x1], $0xffff;
	[tilespmem:s15+$0xFFFFFF10] =	vst v6  }
0x5a: {  	v12 =	vld.idx.msk [tilespmem:v0+s16+$0x840 ss:$0x1], $0xffff;
	[tilespmem:s15+$0xFFFFFF20] =	vst v7  }
0x5b: {  	v13 =	vld.idx.msk [tilespmem:v0+s16+$0x850 ss:$0x1], $0xffff;
	[tilespmem:s15+$0xFFFFFF30] =	vst v8  }
0x5c: {  	v4 =	vld [tilespmem:s13+$0x50];
	[tilespmem:s15+$0xFFFFFF40] =	vst v9  }
0x5d: {  	v5 =	vld [tilespmem:s13+$0x60];
	[tilespmem:s15+$0xFFFFFF90] =	vst v1  }
0x5e: {  	v6 =	vld [tilespmem:s13+$0x70];
	[tilespmem:s15+$0xFFFFFFA0] =	vst v2  }
0x5f: {  	v7 =	vld [tilespmem:s13+$0x400];
	[tilespmem:s15+$0xFFFFFFB0] =	vst v3  }
0x60: {  	v8 =	vld [tilespmem:s13+$0x800];
	[tilespmem:s15+$0x20] =	vst v10  }
0x61: {  	v9 =	vld.idx.msk [tilespmem:v0+s16+$0x470 ss:$0x1], $0xffff;
	[tilespmem:s15+$0x30] =	vst v11  }
0x62: {  	v1 =	vld.idx.msk [tilespmem:v0+s16+$0xC20 ss:$0x1], $0xffff;
	[tilespmem:s15+$0x40] =	vst v12  }
0x63: {  	v2 =	vld.idx.msk [tilespmem:v0+s16+$0xC30 ss:$0x1], $0xffff;
	[tilespmem:s15+$0x50] =	vst v13  }
0x64: {  	v3 =	vld.idx.msk [tilespmem:v0+s16+$0xC40 ss:$0x1], $0xffff;
	[tilespmem:s15+$0xFFFFFF50] =	vst v4  }
0x65: {  	[tilespmem:s15+$0xFFFFFF70] =	vst v6;
	v6 =	vld.idx.msk [tilespmem:v0+s16+$0x460 ss:$0x1], $0xffff  }
0x66: {  	v4 =	vld.idx.msk [tilespmem:v0+s16+$0x440 ss:$0x1], $0xffff;
	[tilespmem:s15+$0xFFFFFF60] =	vst v5  }
0x67: {  	v5 =	vld.idx.msk [tilespmem:v0+s16+$0x450 ss:$0x1], $0xffff;
	[tilespmem:s15+$0xFFFFFF80] =	vst v7  }
0x68: {  	[tilespmem:s15+$0x0] =	vst v8;
	v8 =	vld.idx.msk [tilespmem:v0+s16+$0x810 ss:$0x1], $0xffff  }
0x69: {  	v7 =	vld.idx.msk [tilespmem:v0+s16+$0x860 ss:$0x1], $0xffff;
	[tilespmem:s15+$0xFFFFFFF0] =	vst v9  }
0x6a: {  	[tilespmem:s15+$0xFFFFFFE0] =	vst v6;
	v6 =	vld.idx.msk [tilespmem:v0+s16+$0x870 ss:$0x1], $0xffff  }
0x6b: {  	s18 =	simm.s32 $0x200;
	[tilespmem:s15+$0xFFFFFFC0] =	vst v4;
	v4 =	vld.idx.msk [tilespmem:v0+s16+$0xC10 ss:$0x1], $0xffff  }
0x6c: {  	s17 =	simm.s32 $0x80;
	s19 =	sand.u32 $0x3000, s18;
	[tilespmem:s15+$0xFFFFFFD0] =	vst v5;
	v5 =	vld.idx.msk [tilespmem:v0+s16+$0xC50 ss:$0x1], $0xffff  }
0x6d: {  	s20 =	sand.u32 $0x380, s17;
	s18 =	simm.s32 $0x400;
	s13 =	sor.u32 $0x8000, s14;
	[tilespmem:s15+$0x10] =	vst v8;
	v8 =	vld.idx.msk [tilespmem:v0+s16+$0xC60 ss:$0x1], $0xffff  }
.LBB1_3:
0x6e: {  	p0 =	sne.s32 s18, $0x3E00;
	[tilespmem:s15+$0x60] =	vst v7;
	v7 =	vld.idx.msk [tilespmem:v0+s16+$0xC70 ss:$0x1], $0xffff;
	s16 =	sor.u32 s20, s19  }
0x6f: {  	s19 =	sand.u32 $0x3200, s16;
	v9 =	vld.idx.msk [tilespmem:v0+s16+$0x410 ss:$0x1], $0xffff;
	[tilespmem:s15+$0x70] =	vst v6  }
0x70: {  	s20 =	sand.u32 $0x180, s17;
	s19 =	sadd.s32 s19, s14;
	v6 =	vld.idx.msk [tilespmem:v0+s16+$0x420 ss:$0x1], $0xffff;
	[tilespmem:s15+$0x90] =	vst v4  }
0x71: {  	s19 =	sadd.s32 s20, s19;
	v4 =	vld.idx.msk [tilespmem:v0+s16+$0x430 ss:$0x1], $0xffff;
	[tilespmem:s15+$0xA0] =	vst v1  }
0x72: {  	v1 =	vld [tilespmem:s19+$0xC00];
	[tilespmem:s15+$0xB0] =	vst v2  }
0x73: {  	v2 =	vld [tilespmem:s19+$0x0];
	[tilespmem:s15+$0xC0] =	vst v3  }
0x74: {  	v3 =	vld [tilespmem:s19+$0x10];
	[tilespmem:s15+$0xD0] =	vst v5  }
0x75: {  	v5 =	vld [tilespmem:s19+$0x20];
	[tilespmem:s15+$0xE0] =	vst v8  }
0x76: {  	v8 =	vld [tilespmem:s19+$0x30];
	[tilespmem:s15+$0xF0] =	vst v7;
	s15 =	sadd.s32 $0x200, s15  }
0x77: {  	v7 =	vld [tilespmem:s19+$0x40];
	[tilespmem:s15+$0x80] =	vst v1  }
0x78: {  	[tilespmem:s15+$0xFFFFFF00] =	vst v2;
	v1 =	vld [tilespmem:s19+$0x50]  }
0x79: {  	[tilespmem:s15+$0xFFFFFF10] =	vst v3;
	v2 =	vld [tilespmem:s19+$0x60]  }
0x7a: {  	[tilespmem:s15+$0xFFFFFF20] =	vst v5;
	v3 =	vld [tilespmem:s19+$0x70]  }
0x7b: {  	[tilespmem:s15+$0xFFFFFF30] =	vst v8;
	v5 =	vld [tilespmem:s19+$0x400]  }
0x7c: {  	[tilespmem:s15+$0xFFFFFF40] =	vst v7;
	v7 =	vld [tilespmem:s19+$0x800]  }
0x7d: {  	[tilespmem:s15+$0xFFFFFF50] =	vst v1;
	v1 =	vld.idx.msk [tilespmem:v0+s16+$0x440 ss:$0x1], $0xffff  }
0x7e: {  	[tilespmem:s15+$0xFFFFFF60] =	vst v2;
	v2 =	vld.idx.msk [tilespmem:v0+s16+$0x450 ss:$0x1], $0xffff  }
0x7f: {  	[tilespmem:s15+$0xFFFFFF70] =	vst v3;
	v3 =	vld.idx.msk [tilespmem:v0+s16+$0x460 ss:$0x1], $0xffff  }
0x80: {  	[tilespmem:s15+$0xFFFFFF80] =	vst v5;
	v5 =	vld.idx.msk [tilespmem:v0+s16+$0x470 ss:$0x1], $0xffff  }
0x81: {  	[tilespmem:s15+$0x0] =	vst v7;
	v8 =	vld.idx.msk [tilespmem:v0+s16+$0x810 ss:$0x1], $0xffff  }
0x82: {  	[tilespmem:s15+$0xFFFFFF90] =	vst v9;
	v9 =	vld.idx.msk [tilespmem:v0+s16+$0x820 ss:$0x1], $0xffff  }
0x83: {  	[tilespmem:s15+$0xFFFFFFA0] =	vst v6;
	v10 =	vld.idx.msk [tilespmem:v0+s16+$0x830 ss:$0x1], $0xffff  }
0x84: {  	[tilespmem:s15+$0xFFFFFFB0] =	vst v4;
	v11 =	vld.idx.msk [tilespmem:v0+s16+$0x840 ss:$0x1], $0xffff  }
0x85: {  	[tilespmem:s15+$0xFFFFFFC0] =	vst v1;
	v12 =	vld.idx.msk [tilespmem:v0+s16+$0x850 ss:$0x1], $0xffff  }
0x86: {  	[tilespmem:s15+$0xFFFFFFD0] =	vst v2;
	v7 =	vld.idx.msk [tilespmem:v0+s16+$0x860 ss:$0x1], $0xffff  }
0x87: {  	[tilespmem:s15+$0xFFFFFFE0] =	vst v3;
	v6 =	vld.idx.msk [tilespmem:v0+s16+$0x870 ss:$0x1], $0xffff  }
0x88: {  	[tilespmem:s15+$0xFFFFFFF0] =	vst v5;
	v4 =	vld.idx.msk [tilespmem:v0+s16+$0xC10 ss:$0x1], $0xffff  }
.Ltmp3:
0x89: {  	[tilespmem:s15+$0x10] =	vst v8;
	v1 =	vld.idx.msk [tilespmem:v0+s16+$0xC20 ss:$0x1], $0xffff;
	(pc) =	sbr.rel @p0 .LBB1_3-.Ltmp3, $4  }
0x8a: {  	[tilespmem:s15+$0x20] =	vst v9;
	v2 =	vld.idx.msk [tilespmem:v0+s16+$0xC30 ss:$0x1], $0xffff  }
0x8b: {  	[tilespmem:s15+$0x30] =	vst v10;
	v3 =	vld.idx.msk [tilespmem:v0+s16+$0xC40 ss:$0x1], $0xffff  }
0x8c: {  	s17 =	sadd.s32 $0x80, s17;
	[tilespmem:s15+$0x40] =	vst v11;
	v5 =	vld.idx.msk [tilespmem:v0+s16+$0xC50 ss:$0x1], $0xffff  }
0x8d: {  	s20 =	sand.u32 $0x380, s17;
	s19 =	sand.u32 $0x3000, s18;
	s18 =	sadd.s32 $0x200, s18;
	[tilespmem:s15+$0x50] =	vst v12;
	v8 =	vld.idx.msk [tilespmem:v0+s16+$0xC60 ss:$0x1], $0xffff  }
.Ltmp4:
0x8e: {  	_ = 	snop;
	(pc) =	sbr.rel .LBB1_4-.Ltmp4, $1  }
0x8f: {  	_ =	sdelay $0x3  }
.LBB1_6:
0x90: {  	_ =	sfence.sel $0x180000  }
0x91: {  	s2 =	simm.s32 $0x1;
	[bflag:$0x0] =	sbarrier.arrive $0xFFFF  }
0x92: {  	s31 =	simm.s32 $0x2;
	[sflag:s2] =	ssyncpa.u1 $0x1  }
0x93: {  	[sflag:s31] =	ssyncpa.u1 $0x1  }
0x94: {  	p0 =	sne.s32 s0, $0x0;
	_ =	strace $0x90000047  }
0x95: {  	s0 =	sadd.s32 @!p0 $0x100000, s1;
	[bflag:$0x2] =	sbarrier.arrive $0xFFFF  }
0x96: {  	[sflag:s0] =	ssyncadd.tile.s32 @!p0 $0x1;
	_ =	shalt  }
.Lfunc_end1:
_tile_overlayer_lowered:
.L_overlay_start_2:
0x97: {  	(tag) =	ssettag $0x2  }
0x98: {  	s0 =	rddreg [dreg:$0x0];
	s2 =	stileid.u32  }
0x99: {  	s1 =	rddreg [dreg:$0x1];
	p0 =	sne.s32 s2, $0x0  }
0x9a: {  	s3 =	rddreg [dreg:$0x2];
	[bflag:$0x3] =	sbarrier.arrive $0xFFFF;
	s2 =	simm.s32 @!p0 $0x1C01  }
0x9b: {  	[timem:s3], [sflag:s2] =	dma.local @!p0 [hbm:s0], s1  }
0x9c: {  	s0 =	simm.s32 @!p0 $0x1  }
0x9d: {  	_ =	swait.ge @!p0 [sflag:s0], s1  }
0x9e: {  	s1 =	ssub.s32 @!p0 $0x0, s1;
	[sflag:s0] =	ssyncset.done @!p0 $0x0  }
0x9f: {  	[sflag:s0] =	ssyncadd.s32 @!p0 s1  }
0xa0: {  	[bflag:$0x3] =	sbarrier.arrive $0xFFFF  }
0xa1: {  	_ =	shalt  }

</sc_bundles>
